<compile_context>
chip_gen: v7x
topology: tpu7x:2x2x1
jax: 0.10.2.dev20260603
libtpu: 0.0.44.dev20260713+nightly
codegen_flags: <defaults>
</compile_context>

<pallas_src>
import functools

import jax
import jax.numpy as jnp
from jax import lax
from jax.experimental import pallas as pl
from jax.experimental.pallas import tpu as pltpu
from jax.experimental.pallas import tpu_sc as plsc

_LANES = 16
_NC = 2
_NS = 16
_NW = _NC * _NS


def _tc_body(x_ref, w1_ref, b1_ref, wout_ref, bout_ref, t_ref, c_ref):
    hi = jax.lax.Precision.HIGHEST
    hmat = jnp.dot(x_ref[...], w1_ref[...],
                   preferred_element_type=jnp.float32)
    t_ref[...] = jnp.dot(hmat, wout_ref[...], precision=hi,
                         preferred_element_type=jnp.float32)
    cb = jnp.dot(b1_ref[...], wout_ref[...], precision=hi,
                 preferred_element_type=jnp.float32)
    c_ref[...] = cb * jnp.float32(x_ref.shape[0]) + bout_ref[...]


def _sc_gather_sum(t, src):
    n = t.shape[0]
    e = src.shape[0]
    epw = e // _NW
    iters = epw // _LANES
    unroll = 25
    assert iters % unroll == 0
    mesh = plsc.VectorSubcoreMesh(core_axis_name="c", subcore_axis_name="s")

    @functools.partial(
        pl.kernel,
        mesh=mesh,
        compiler_params=pltpu.CompilerParams(needs_layout_passes=False),
        out_type=jax.ShapeDtypeStruct((_NC * _LANES,), jnp.float32),
        scratch_types=[
            pltpu.VMEM((epw,), jnp.int32),
            pltpu.VMEM((n,), jnp.float32),
            pltpu.VMEM((_LANES,), jnp.float32),
            pltpu.VMEM((_NS * _LANES,), jnp.float32),
            pltpu.VMEM_SHARED((_NS * _LANES,), jnp.float32),
            pltpu.SemaphoreType.DMA,
            pltpu.SemaphoreType.DMA,
        ],
    )
    def k(t_hbm, src_hbm, out_hbm, idx_v, t_v, acc_v, all_v, part_sh,
          sem_t, sem_i):
        c = lax.axis_index("c")
        s = lax.axis_index("s")
        wid = s * _NC + c
        cp_t = pltpu.async_copy(t_hbm, t_v, sem_t)
        cp_i = pltpu.async_copy(src_hbm.at[pl.ds(wid * epw, epw)], idx_v, sem_i)
        cp_t.wait()
        cp_i.wait()

        def step(i, accs):
            base = i * (_LANES * unroll)
            vals = [
                plsc.load_gather(t_v, [idx_v[pl.ds(base + u * _LANES, _LANES)]])
                for u in range(unroll)
            ]
            return tuple(a + v for a, v in zip(accs, vals))

        zero = jnp.zeros((_LANES,), jnp.float32)
        accs = lax.fori_loop(0, iters // unroll, step, (zero,) * unroll)
        acc = accs[0]
        for a in accs[1:]:
            acc = acc + a
        acc_v[...] = acc
        pltpu.sync_copy(acc_v, part_sh.at[pl.ds(s * _LANES, _LANES)])
        plsc.subcore_barrier()

        @pl.when(s == 0)
        def _():
            pltpu.sync_copy(part_sh, all_v)
            tot = all_v[pl.ds(0, _LANES)]
            for j in range(1, _NS):
                tot = tot + all_v[pl.ds(j * _LANES, _LANES)]
            total = jnp.sum(tot)
            lane = lax.iota(jnp.int32, _LANES)
            acc_v[...] = jnp.where(lane == 0, total, jnp.float32(0.0))
            pltpu.sync_copy(acc_v, out_hbm.at[pl.ds(c * _LANES, _LANES)])

    return k(t, src)


def kernel(x, edge_index, W1, b1, W_out, b_out):
    src = edge_index[0]
    t2, cst = pl.pallas_call(
        _tc_body,
        out_shape=[
            jax.ShapeDtypeStruct((x.shape[0], 1), jnp.float32),
            jax.ShapeDtypeStruct((1, 1), jnp.float32),
        ],
    )(x, W1, b1.reshape(1, -1), W_out, b_out.reshape(1, 1))
    parts = _sc_gather_sum(t2.reshape(-1), src)
    out = parts[0] + parts[_LANES] + cst[0, 0]
    return out.reshape(1, 1)

# --- scband reference (transcript-rebuilt; emitter-appended) ---
"""Pipeline reference for scband-finetune-model-11304353923871 (READ-ONLY COPY).

The authoritative reference and input builder live on the scoring server;
editing this copy changes nothing except your own understanding.
"""

import jax, jax.numpy as jnp
import numpy as np

N = 10000
E = 320000
D = 128
H = 128
OUT = 1

def setup_inputs(seed: int = 0) -> dict:
    key = jax.random.key(seed)
    ks = jax.random.split(key, 6)
    x = jax.random.normal(ks[0], (N, D), dtype=jnp.float32)
    edge_index = jax.random.randint(ks[1], (2, E), 0, N, dtype=jnp.int32)
    # Frozen pretrained GNN layer (layer1 of pretrain_model): GCN-style conv params
    W1 = jax.random.normal(ks[2], (D, H), dtype=jnp.float32) * (1.0 / np.sqrt(D))
    b1 = jnp.zeros((H,), dtype=jnp.float32)
    # Trainable output layer: Linear(hidden_dim, output_dim)
    W_out = jax.random.normal(ks[3], (H, OUT), dtype=jnp.float32) * (1.0 / np.sqrt(H))
    b_out = jnp.zeros((OUT,), dtype=jnp.float32)
    return {"x": x, "edge_index": edge_index, "W1": W1, "b1": b1, "W_out": W_out, "b_out": b_out}


def reference(x, edge_index, W1, b1, W_out, b_out):
    # pretrain.layer1(x, edge_index): message-passing graph conv
    src = edge_index[0]
    dst = edge_index[1]
    msg = jnp.take(x, src, axis=0) @ W1          # gather source features, transform
    h = jnp.zeros((x.shape[0], W1.shape[1]), dtype=x.dtype).at[dst].add(msg) + b1  # scatter-add to dst
    # global_add_pool with all-zero batch vector (single graph in batch)
    batch_ids = jnp.zeros((x.shape[0],), dtype=jnp.int32)
    mol_vec = jax.ops.segment_sum(h, batch_ids, num_segments=1)  # [1, H]
    # output_layer
    out = mol_vec @ W_out + b_out                # [1, OUT]
    return out

if __name__ == "__main__":
    import jax
    _d = setup_inputs()
    print(jax.jit(kernel)(*tuple(_d.values())))

</pallas_src>

<mosaic_0001>
#map = affine_map<(d0, d1) -> (0)>
module attributes {stable_mosaic.version = 14 : i64} {
  func.func @k(%arg0: i32, %arg1: i32, %arg2: memref<10000xf32, #tpu.memory_space<hbm>>, %arg3: memref<320000xi32, #tpu.memory_space<hbm>>, %arg4: memref<32xf32, #tpu.memory_space<hbm>>, %arg5: memref<10000xi32, #tpu.memory_space<vmem>>, %arg6: memref<10000xf32, #tpu.memory_space<vmem>>, %arg7: memref<16xf32, #tpu.memory_space<vmem>>, %arg8: memref<256xf32, #tpu.memory_space<vmem>>, %arg9: memref<256xf32, #tpu.memory_space<vmem_shared>>, %arg10: memref<!tpu.dma_semaphore, #tpu.memory_space<semaphore_mem>>, %arg11: memref<!tpu.dma_semaphore, #tpu.memory_space<semaphore_mem>>) attributes {dimension_semantics = [#tpu.dimension_semantics<core_parallel>, #tpu.dimension_semantics<subcore_parallel>], iteration_bounds = array<i64: 2, 16>, scalar_prefetch = 0 : i64, scratch_operands = 7 : i64, tpu.core_type = #tpu.core_type<sc_vector_subcore>, window_params = [{transform_indices = #map}, {transform_indices = #map}, {transform_indices = #map}]} {
    %mul3A = arith.constant 2 : i32
    %mul3A_0 = arith.muli %arg1, %mul3A : i32
    %add3A = arith.addi %mul3A_0, %arg0 : i32
    tpu.enqueue_dma source(%arg2 : memref<10000xf32, #tpu.memory_space<hbm>>) target(%arg6 : memref<10000xf32, #tpu.memory_space<vmem>>) target_semaphore(%arg10 : memref<!tpu.dma_semaphore, #tpu.memory_space<semaphore_mem>>)
    %mul3A_1 = arith.constant 10000 : i32
    %mul3A_2 = arith.muli %add3A, %mul3A_1 : i32
    %dma_start3A = tpu.memref_slice %arg3[%mul3A_2] : memref<320000xi32, #tpu.memory_space<hbm>> -> memref<10000xi32, #tpu.memory_space<hbm>>
    %dma_start3A_3 = tpu.memref_slice %arg3[%mul3A_2] : memref<320000xi32, #tpu.memory_space<hbm>> -> memref<10000xi32, #tpu.memory_space<hbm>>
    tpu.enqueue_dma source(%dma_start3A_3 : memref<10000xi32, #tpu.memory_space<hbm>>) target(%arg5 : memref<10000xi32, #tpu.memory_space<vmem>>) target_semaphore(%arg11 : memref<!tpu.dma_semaphore, #tpu.memory_space<semaphore_mem>>)
    tpu.wait_dma2 semaphore(%arg10 : memref<!tpu.dma_semaphore, #tpu.memory_space<semaphore_mem>>) src(%arg2 : memref<10000xf32, #tpu.memory_space<hbm>>) dst(%arg6 : memref<10000xf32, #tpu.memory_space<vmem>>)
    %dma_wait3A = tpu.memref_slice %arg3[%mul3A_2] : memref<320000xi32, #tpu.memory_space<hbm>> -> memref<10000xi32, #tpu.memory_space<hbm>>
    %dma_wait3A_4 = tpu.memref_slice %arg3[%mul3A_2] : memref<320000xi32, #tpu.memory_space<hbm>> -> memref<10000xi32, #tpu.memory_space<hbm>>
    tpu.wait_dma2 semaphore(%arg11 : memref<!tpu.dma_semaphore, #tpu.memory_space<semaphore_mem>>) src(%dma_wait3A_4 : memref<10000xi32, #tpu.memory_space<hbm>>) dst(%arg5 : memref<10000xi32, #tpu.memory_space<vmem>>)
    %broadcast_in_dim3A = arith.constant 0.000000e+00 : f32
    %broadcast_in_dim3A_5 = vector.broadcast %broadcast_in_dim3A : f32 to vector<16xf32>
    %scan3A = arith.constant 0 : i32
    %scan3A_6 = arith.constant 25 : i32
    %scan3A_7 = arith.addi %scan3A, %scan3A_6 : i32
    %scan3A_8 = arith.constant 1 : i32
    %scan3A_9:25 = scf.for %scan3A_40 = %scan3A to %scan3A_7 step %scan3A_8 iter_args(%scan3A_41 = %broadcast_in_dim3A_5, %scan3A_42 = %broadcast_in_dim3A_5, %scan3A_43 = %broadcast_in_dim3A_5, %scan3A_44 = %broadcast_in_dim3A_5, %scan3A_45 = %broadcast_in_dim3A_5, %scan3A_46 = %broadcast_in_dim3A_5, %scan3A_47 = %broadcast_in_dim3A_5, %scan3A_48 = %broadcast_in_dim3A_5, %scan3A_49 = %broadcast_in_dim3A_5, %scan3A_50 = %broadcast_in_dim3A_5, %scan3A_51 = %broadcast_in_dim3A_5, %scan3A_52 = %broadcast_in_dim3A_5, %scan3A_53 = %broadcast_in_dim3A_5, %scan3A_54 = %broadcast_in_dim3A_5, %scan3A_55 = %broadcast_in_dim3A_5, %scan3A_56 = %broadcast_in_dim3A_5, %scan3A_57 = %broadcast_in_dim3A_5, %scan3A_58 = %broadcast_in_dim3A_5, %scan3A_59 = %broadcast_in_dim3A_5, %scan3A_60 = %broadcast_in_dim3A_5, %scan3A_61 = %broadcast_in_dim3A_5, %scan3A_62 = %broadcast_in_dim3A_5, %scan3A_63 = %broadcast_in_dim3A_5, %scan3A_64 = %broadcast_in_dim3A_5, %scan3A_65 = %broadcast_in_dim3A_5) -> (vector<16xf32>, vector<16xf32>, vector<16xf32>, vector<16xf32>, vector<16xf32>, vector<16xf32>, vector<16xf32>, vector<16xf32>, vector<16xf32>, vector<16xf32>, vector<16xf32>, vector<16xf32>, vector<16xf32>, vector<16xf32>, vector<16xf32>, vector<16xf32>, vector<16xf32>, vector<16xf32>, vector<16xf32>, vector<16xf32>, vector<16xf32>, vector<16xf32>, vector<16xf32>, vector<16xf32>, vector<16xf32>)  : i32 {
      %mul3A_66 = arith.constant 400 : i32
      %mul3A_67 = arith.muli %scan3A_40, %mul3A_66 : i32
      %add3A_68 = arith.constant 0 : i32
      %add3A_69 = arith.addi %mul3A_67, %add3A_68 : i32
      %get3A = arith.index_cast %add3A_69 : i32 to index
      %get3A_70 = tpu.vector_load %arg5[%get3A] {strides = array<i32>} : memref<10000xi32, #tpu.memory_space<vmem>>, vector<16xi32>,
      %gather3A = tpu.vector_load_idx %arg6[%get3A_70] : memref<10000xf32, #tpu.memory_space<vmem>>[vector<16xi32>], vector<16xf32>,
      %add3A_71 = arith.constant 16 : i32
      %add3A_72 = arith.addi %mul3A_67, %add3A_71 : i32
      %get3A_73 = arith.index_cast %add3A_72 : i32 to index
      %get3A_74 = tpu.vector_load %arg5[%get3A_73] {strides = array<i32>} : memref<10000xi32, #tpu.memory_space<vmem>>, vector<16xi32>,
      %gather3A_75 = tpu.vector_load_idx %arg6[%get3A_74] : memref<10000xf32, #tpu.memory_space<vmem>>[vector<16xi32>], vector<16xf32>,
      %add3A_76 = arith.constant 32 : i32
      %add3A_77 = arith.addi %mul3A_67, %add3A_76 : i32
      %get3A_78 = arith.index_cast %add3A_77 : i32 to index
      %get3A_79 = tpu.vector_load %arg5[%get3A_78] {strides = array<i32>} : memref<10000xi32, #tpu.memory_space<vmem>>, vector<16xi32>,
      %gather3A_80 = tpu.vector_load_idx %arg6[%get3A_79] : memref<10000xf32, #tpu.memory_space<vmem>>[vector<16xi32>], vector<16xf32>,
      %add3A_81 = arith.constant 48 : i32
      %add3A_82 = arith.addi %mul3A_67, %add3A_81 : i32
      %get3A_83 = arith.index_cast %add3A_82 : i32 to index
      %get3A_84 = tpu.vector_load %arg5[%get3A_83] {strides = array<i32>} : memref<10000xi32, #tpu.memory_space<vmem>>, vector<16xi32>,
      %gather3A_85 = tpu.vector_load_idx %arg6[%get3A_84] : memref<10000xf32, #tpu.memory_space<vmem>>[vector<16xi32>], vector<16xf32>,
      %add3A_86 = arith.constant 64 : i32
      %add3A_87 = arith.addi %mul3A_67, %add3A_86 : i32
      %get3A_88 = arith.index_cast %add3A_87 : i32 to index
      %get3A_89 = tpu.vector_load %arg5[%get3A_88] {strides = array<i32>} : memref<10000xi32, #tpu.memory_space<vmem>>, vector<16xi32>,
      %gather3A_90 = tpu.vector_load_idx %arg6[%get3A_89] : memref<10000xf32, #tpu.memory_space<vmem>>[vector<16xi32>], vector<16xf32>,
      %add3A_91 = arith.constant 80 : i32
      %add3A_92 = arith.addi %mul3A_67, %add3A_91 : i32
      %get3A_93 = arith.index_cast %add3A_92 : i32 to index
      %get3A_94 = tpu.vector_load %arg5[%get3A_93] {strides = array<i32>} : memref<10000xi32, #tpu.memory_space<vmem>>, vector<16xi32>,
      %gather3A_95 = tpu.vector_load_idx %arg6[%get3A_94] : memref<10000xf32, #tpu.memory_space<vmem>>[vector<16xi32>], vector<16xf32>,
      %add3A_96 = arith.constant 96 : i32
      %add3A_97 = arith.addi %mul3A_67, %add3A_96 : i32
      %get3A_98 = arith.index_cast %add3A_97 : i32 to index
      %get3A_99 = tpu.vector_load %arg5[%get3A_98] {strides = array<i32>} : memref<10000xi32, #tpu.memory_space<vmem>>, vector<16xi32>,
      %gather3A_100 = tpu.vector_load_idx %arg6[%get3A_99] : memref<10000xf32, #tpu.memory_space<vmem>>[vector<16xi32>], vector<16xf32>,
      %add3A_101 = arith.constant 112 : i32
      %add3A_102 = arith.addi %mul3A_67, %add3A_101 : i32
      %get3A_103 = arith.index_cast %add3A_102 : i32 to index
      %get3A_104 = tpu.vector_load %arg5[%get3A_103] {strides = array<i32>} : memref<10000xi32, #tpu.memory_space<vmem>>, vector<16xi32>,
      %gather3A_105 = tpu.vector_load_idx %arg6[%get3A_104] : memref<10000xf32, #tpu.memory_space<vmem>>[vector<16xi32>], vector<16xf32>,
      %add3A_106 = arith.constant 128 : i32
      %add3A_107 = arith.addi %mul3A_67, %add3A_106 : i32
      %get3A_108 = arith.index_cast %add3A_107 : i32 to index
      %get3A_109 = tpu.vector_load %arg5[%get3A_108] {strides = array<i32>} : memref<10000xi32, #tpu.memory_space<vmem>>, vector<16xi32>,
      %gather3A_110 = tpu.vector_load_idx %arg6[%get3A_109] : memref<10000xf32, #tpu.memory_space<vmem>>[vector<16xi32>], vector<16xf32>,
      %add3A_111 = arith.constant 144 : i32
      %add3A_112 = arith.addi %mul3A_67, %add3A_111 : i32
      %get3A_113 = arith.index_cast %add3A_112 : i32 to index
      %get3A_114 = tpu.vector_load %arg5[%get3A_113] {strides = array<i32>} : memref<10000xi32, #tpu.memory_space<vmem>>, vector<16xi32>,
      %gather3A_115 = tpu.vector_load_idx %arg6[%get3A_114] : memref<10000xf32, #tpu.memory_space<vmem>>[vector<16xi32>], vector<16xf32>,
      %add3A_116 = arith.constant 160 : i32
      %add3A_117 = arith.addi %mul3A_67, %add3A_116 : i32
      %get3A_118 = arith.index_cast %add3A_117 : i32 to index
      %get3A_119 = tpu.vector_load %arg5[%get3A_118] {strides = array<i32>} : memref<10000xi32, #tpu.memory_space<vmem>>, vector<16xi32>,
      %gather3A_120 = tpu.vector_load_idx %arg6[%get3A_119] : memref<10000xf32, #tpu.memory_space<vmem>>[vector<16xi32>], vector<16xf32>,
      %add3A_121 = arith.constant 176 : i32
      %add3A_122 = arith.addi %mul3A_67, %add3A_121 : i32
      %get3A_123 = arith.index_cast %add3A_122 : i32 to index
      %get3A_124 = tpu.vector_load %arg5[%get3A_123] {strides = array<i32>} : memref<10000xi32, #tpu.memory_space<vmem>>, vector<16xi32>,
      %gather3A_125 = tpu.vector_load_idx %arg6[%get3A_124] : memref<10000xf32, #tpu.memory_space<vmem>>[vector<16xi32>], vector<16xf32>,
      %add3A_126 = arith.constant 192 : i32
      %add3A_127 = arith.addi %mul3A_67, %add3A_126 : i32
      %get3A_128 = arith.index_cast %add3A_127 : i32 to index
      %get3A_129 = tpu.vector_load %arg5[%get3A_128] {strides = array<i32>} : memref<10000xi32, #tpu.memory_space<vmem>>, vector<16xi32>,
      %gather3A_130 = tpu.vector_load_idx %arg6[%get3A_129] : memref<10000xf32, #tpu.memory_space<vmem>>[vector<16xi32>], vector<16xf32>,
      %add3A_131 = arith.constant 208 : i32
      %add3A_132 = arith.addi %mul3A_67, %add3A_131 : i32
      %get3A_133 = arith.index_cast %add3A_132 : i32 to index
      %get3A_134 = tpu.vector_load %arg5[%get3A_133] {strides = array<i32>} : memref<10000xi32, #tpu.memory_space<vmem>>, vector<16xi32>,
      %gather3A_135 = tpu.vector_load_idx %arg6[%get3A_134] : memref<10000xf32, #tpu.memory_space<vmem>>[vector<16xi32>], vector<16xf32>,
      %add3A_136 = arith.constant 224 : i32
      %add3A_137 = arith.addi %mul3A_67, %add3A_136 : i32
      %get3A_138 = arith.index_cast %add3A_137 : i32 to index
      %get3A_139 = tpu.vector_load %arg5[%get3A_138] {strides = array<i32>} : memref<10000xi32, #tpu.memory_space<vmem>>, vector<16xi32>,
      %gather3A_140 = tpu.vector_load_idx %arg6[%get3A_139] : memref<10000xf32, #tpu.memory_space<vmem>>[vector<16xi32>], vector<16xf32>,
      %add3A_141 = arith.constant 240 : i32
      %add3A_142 = arith.addi %mul3A_67, %add3A_141 : i32
      %get3A_143 = arith.index_cast %add3A_142 : i32 to index
      %get3A_144 = tpu.vector_load %arg5[%get3A_143] {strides = array<i32>} : memref<10000xi32, #tpu.memory_space<vmem>>, vector<16xi32>,
      %gather3A_145 = tpu.vector_load_idx %arg6[%get3A_144] : memref<10000xf32, #tpu.memory_space<vmem>>[vector<16xi32>], vector<16xf32>,
      %add3A_146 = arith.constant 256 : i32
      %add3A_147 = arith.addi %mul3A_67, %add3A_146 : i32
      %get3A_148 = arith.index_cast %add3A_147 : i32 to index
      %get3A_149 = tpu.vector_load %arg5[%get3A_148] {strides = array<i32>} : memref<10000xi32, #tpu.memory_space<vmem>>, vector<16xi32>,
      %gather3A_150 = tpu.vector_load_idx %arg6[%get3A_149] : memref<10000xf32, #tpu.memory_space<vmem>>[vector<16xi32>], vector<16xf32>,
      %add3A_151 = arith.constant 272 : i32
      %add3A_152 = arith.addi %mul3A_67, %add3A_151 : i32
      %get3A_153 = arith.index_cast %add3A_152 : i32 to index
      %get3A_154 = tpu.vector_load %arg5[%get3A_153] {strides = array<i32>} : memref<10000xi32, #tpu.memory_space<vmem>>, vector<16xi32>,
      %gather3A_155 = tpu.vector_load_idx %arg6[%get3A_154] : memref<10000xf32, #tpu.memory_space<vmem>>[vector<16xi32>], vector<16xf32>,
      %add3A_156 = arith.constant 288 : i32
      %add3A_157 = arith.addi %mul3A_67, %add3A_156 : i32
      %get3A_158 = arith.index_cast %add3A_157 : i32 to index
      %get3A_159 = tpu.vector_load %arg5[%get3A_158] {strides = array<i32>} : memref<10000xi32, #tpu.memory_space<vmem>>, vector<16xi32>,
      %gather3A_160 = tpu.vector_load_idx %arg6[%get3A_159] : memref<10000xf32, #tpu.memory_space<vmem>>[vector<16xi32>], vector<16xf32>,
      %add3A_161 = arith.constant 304 : i32
      %add3A_162 = arith.addi %mul3A_67, %add3A_161 : i32
      %get3A_163 = arith.index_cast %add3A_162 : i32 to index
      %get3A_164 = tpu.vector_load %arg5[%get3A_163] {strides = array<i32>} : memref<10000xi32, #tpu.memory_space<vmem>>, vector<16xi32>,
      %gather3A_165 = tpu.vector_load_idx %arg6[%get3A_164] : memref<10000xf32, #tpu.memory_space<vmem>>[vector<16xi32>], vector<16xf32>,
      %add3A_166 = arith.constant 320 : i32
      %add3A_167 = arith.addi %mul3A_67, %add3A_166 : i32
      %get3A_168 = arith.index_cast %add3A_167 : i32 to index
      %get3A_169 = tpu.vector_load %arg5[%get3A_168] {strides = array<i32>} : memref<10000xi32, #tpu.memory_space<vmem>>, vector<16xi32>,
      %gather3A_170 = tpu.vector_load_idx %arg6[%get3A_169] : memref<10000xf32, #tpu.memory_space<vmem>>[vector<16xi32>], vector<16xf32>,
      %add3A_171 = arith.constant 336 : i32
      %add3A_172 = arith.addi %mul3A_67, %add3A_171 : i32
      %get3A_173 = arith.index_cast %add3A_172 : i32 to index
      %get3A_174 = tpu.vector_load %arg5[%get3A_173] {strides = array<i32>} : memref<10000xi32, #tpu.memory_space<vmem>>, vector<16xi32>,
      %gather3A_175 = tpu.vector_load_idx %arg6[%get3A_174] : memref<10000xf32, #tpu.memory_space<vmem>>[vector<16xi32>], vector<16xf32>,
      %add3A_176 = arith.constant 352 : i32
      %add3A_177 = arith.addi %mul3A_67, %add3A_176 : i32
      %get3A_178 = arith.index_cast %add3A_177 : i32 to index
      %get3A_179 = tpu.vector_load %arg5[%get3A_178] {strides = array<i32>} : memref<10000xi32, #tpu.memory_space<vmem>>, vector<16xi32>,
      %gather3A_180 = tpu.vector_load_idx %arg6[%get3A_179] : memref<10000xf32, #tpu.memory_space<vmem>>[vector<16xi32>], vector<16xf32>,
      %add3A_181 = arith.constant 368 : i32
      %add3A_182 = arith.addi %mul3A_67, %add3A_181 : i32
      %get3A_183 = arith.index_cast %add3A_182 : i32 to index
      %get3A_184 = tpu.vector_load %arg5[%get3A_183] {strides = array<i32>} : memref<10000xi32, #tpu.memory_space<vmem>>, vector<16xi32>,
      %gather3A_185 = tpu.vector_load_idx %arg6[%get3A_184] : memref<10000xf32, #tpu.memory_space<vmem>>[vector<16xi32>], vector<16xf32>,
      %add3A_186 = arith.constant 384 : i32
      %add3A_187 = arith.addi %mul3A_67, %add3A_186 : i32
      %get3A_188 = arith.index_cast %add3A_187 : i32 to index
      %get3A_189 = tpu.vector_load %arg5[%get3A_188] {strides = array<i32>} : memref<10000xi32, #tpu.memory_space<vmem>>, vector<16xi32>,
      %gather3A_190 = tpu.vector_load_idx %arg6[%get3A_189] : memref<10000xf32, #tpu.memory_space<vmem>>[vector<16xi32>], vector<16xf32>,
      %add3A_191 = arith.addf %scan3A_41, %gather3A : vector<16xf32>
      %add3A_192 = arith.addf %scan3A_42, %gather3A_75 : vector<16xf32>
      %add3A_193 = arith.addf %scan3A_43, %gather3A_80 : vector<16xf32>
      %add3A_194 = arith.addf %scan3A_44, %gather3A_85 : vector<16xf32>
      %add3A_195 = arith.addf %scan3A_45, %gather3A_90 : vector<16xf32>
      %add3A_196 = arith.addf %scan3A_46, %gather3A_95 : vector<16xf32>
      %add3A_197 = arith.addf %scan3A_47, %gather3A_100 : vector<16xf32>
      %add3A_198 = arith.addf %scan3A_48, %gather3A_105 : vector<16xf32>
      %add3A_199 = arith.addf %scan3A_49, %gather3A_110 : vector<16xf32>
      %add3A_200 = arith.addf %scan3A_50, %gather3A_115 : vector<16xf32>
      %add3A_201 = arith.addf %scan3A_51, %gather3A_120 : vector<16xf32>
      %add3A_202 = arith.addf %scan3A_52, %gather3A_125 : vector<16xf32>
      %add3A_203 = arith.addf %scan3A_53, %gather3A_130 : vector<16xf32>
      %add3A_204 = arith.addf %scan3A_54, %gather3A_135 : vector<16xf32>
      %add3A_205 = arith.addf %scan3A_55, %gather3A_140 : vector<16xf32>
      %add3A_206 = arith.addf %scan3A_56, %gather3A_145 : vector<16xf32>
      %add3A_207 = arith.addf %scan3A_57, %gather3A_150 : vector<16xf32>
      %add3A_208 = arith.addf %scan3A_58, %gather3A_155 : vector<16xf32>
      %add3A_209 = arith.addf %scan3A_59, %gather3A_160 : vector<16xf32>
      %add3A_210 = arith.addf %scan3A_60, %gather3A_165 : vector<16xf32>
      %add3A_211 = arith.addf %scan3A_61, %gather3A_170 : vector<16xf32>
      %add3A_212 = arith.addf %scan3A_62, %gather3A_175 : vector<16xf32>
      %add3A_213 = arith.addf %scan3A_63, %gather3A_180 : vector<16xf32>
      %add3A_214 = arith.addf %scan3A_64, %gather3A_185 : vector<16xf32>
      %add3A_215 = arith.addf %scan3A_65, %gather3A_190 : vector<16xf32>
      scf.yield %add3A_191, %add3A_192, %add3A_193, %add3A_194, %add3A_195, %add3A_196, %add3A_197, %add3A_198, %add3A_199, %add3A_200, %add3A_201, %add3A_202, %add3A_203, %add3A_204, %add3A_205, %add3A_206, %add3A_207, %add3A_208, %add3A_209, %add3A_210, %add3A_211, %add3A_212, %add3A_213, %add3A_214, %add3A_215 : vector<16xf32>, vector<16xf32>, vector<16xf32>, vector<16xf32>, vector<16xf32>, vector<16xf32>, vector<16xf32>, vector<16xf32>, vector<16xf32>, vector<16xf32>, vector<16xf32>, vector<16xf32>, vector<16xf32>, vector<16xf32>, vector<16xf32>, vector<16xf32>, vector<16xf32>, vector<16xf32>, vector<16xf32>, vector<16xf32>, vector<16xf32>, vector<16xf32>, vector<16xf32>, vector<16xf32>, vector<16xf32>
    }
    %scan3A_10 = arith.constant 25 : i32
    %add3A_11 = arith.addf %scan3A_9#0, %scan3A_9#1 : vector<16xf32>
    %add3A_12 = arith.addf %add3A_11, %scan3A_9#2 : vector<16xf32>
    %add3A_13 = arith.addf %add3A_12, %scan3A_9#3 : vector<16xf32>
    %add3A_14 = arith.addf %add3A_13, %scan3A_9#4 : vector<16xf32>
    %add3A_15 = arith.addf %add3A_14, %scan3A_9#5 : vector<16xf32>
    %add3A_16 = arith.addf %add3A_15, %scan3A_9#6 : vector<16xf32>
    %add3A_17 = arith.addf %add3A_16, %scan3A_9#7 : vector<16xf32>
    %add3A_18 = arith.addf %add3A_17, %scan3A_9#8 : vector<16xf32>
    %add3A_19 = arith.addf %add3A_18, %scan3A_9#9 : vector<16xf32>
    %add3A_20 = arith.addf %add3A_19, %scan3A_9#10 : vector<16xf32>
    %add3A_21 = arith.addf %add3A_20, %scan3A_9#11 : vector<16xf32>
    %add3A_22 = arith.addf %add3A_21, %scan3A_9#12 : vector<16xf32>
    %add3A_23 = arith.addf %add3A_22, %scan3A_9#13 : vector<16xf32>
    %add3A_24 = arith.addf %add3A_23, %scan3A_9#14 : vector<16xf32>
    %add3A_25 = arith.addf %add3A_24, %scan3A_9#15 : vector<16xf32>
    %add3A_26 = arith.addf %add3A_25, %scan3A_9#16 : vector<16xf32>
    %add3A_27 = arith.addf %add3A_26, %scan3A_9#17 : vector<16xf32>
    %add3A_28 = arith.addf %add3A_27, %scan3A_9#18 : vector<16xf32>
    %add3A_29 = arith.addf %add3A_28, %scan3A_9#19 : vector<16xf32>
    %add3A_30 = arith.addf %add3A_29, %scan3A_9#20 : vector<16xf32>
    %add3A_31 = arith.addf %add3A_30, %scan3A_9#21 : vector<16xf32>
    %add3A_32 = arith.addf %add3A_31, %scan3A_9#22 : vector<16xf32>
    %add3A_33 = arith.addf %add3A_32, %scan3A_9#23 : vector<16xf32>
    %add3A_34 = arith.addf %add3A_33, %scan3A_9#24 : vector<16xf32>
    %swap3A = arith.constant 0 : index
    %swap3A_35 = tpu.vector_load %arg7[%swap3A] {strides = array<i32>} : memref<16xf32, #tpu.memory_space<vmem>>, vector<16xf32>,
    tpu.vector_store %arg7[%swap3A], %add3A_34 {strides = array<i32>} : memref<16xf32, #tpu.memory_space<vmem>>, vector<16xf32>,
    %mul3A_36 = arith.constant 16 : i32
    %mul3A_37 = arith.muli %arg1, %mul3A_36 : i32
    "tpu.region"() ({
      %run_scoped3A = tpu.sem_alloc : memref<!tpu.dma_semaphore, #tpu.memory_space<semaphore_mem>>
      %dma_start3A_40 = tpu.memref_slice %arg9[%mul3A_37] : memref<256xf32, #tpu.memory_space<vmem_shared>> -> memref<16xf32, #tpu.memory_space<vmem_shared>>
      %dma_start3A_41 = tpu.memref_slice %arg9[%mul3A_37] : memref<256xf32, #tpu.memory_space<vmem_shared>> -> memref<16xf32, #tpu.memory_space<vmem_shared>>
      tpu.enqueue_dma source(%arg7 : memref<16xf32, #tpu.memory_space<vmem>>) target(%dma_start3A_41 : memref<16xf32, #tpu.memory_space<vmem_shared>>) target_semaphore(%run_scoped3A : memref<!tpu.dma_semaphore, #tpu.memory_space<semaphore_mem>>)
      %dma_wait3A_42 = tpu.memref_slice %arg9[%mul3A_37] : memref<256xf32, #tpu.memory_space<vmem_shared>> -> memref<16xf32, #tpu.memory_space<vmem_shared>>
      %dma_wait3A_43 = tpu.memref_slice %arg9[%mul3A_37] : memref<256xf32, #tpu.memory_space<vmem_shared>> -> memref<16xf32, #tpu.memory_space<vmem_shared>>
      tpu.wait_dma2 semaphore(%run_scoped3A : memref<!tpu.dma_semaphore, #tpu.memory_space<semaphore_mem>>) src(%arg7 : memref<16xf32, #tpu.memory_space<vmem>>) dst(%dma_wait3A_43 : memref<16xf32, #tpu.memory_space<vmem_shared>>)
      tpu.yield
    }) : () -> ()
    %barrier3A = arith.constant 0 : index
    tpu.barrier barrier_id(%barrier3A)
    %eq3A = arith.constant 0 : i32
    %eq3A_38 = arith.cmpi eq, %arg1, %eq3A : i32
    %convert_element_type3A = arith.extui %eq3A_38 : i1 to i32
    %cond3A = arith.constant 0 : i32
    %cond3A_39 = arith.cmpi ne, %convert_element_type3A, %cond3A : i32
    scf.if %cond3A_39 {
      "tpu.region"() ({
        %run_scoped3A = tpu.sem_alloc : memref<!tpu.dma_semaphore, #tpu.memory_space<semaphore_mem>>
        tpu.enqueue_dma source(%arg9 : memref<256xf32, #tpu.memory_space<vmem_shared>>) target(%arg8 : memref<256xf32, #tpu.memory_space<vmem>>) target_semaphore(%run_scoped3A : memref<!tpu.dma_semaphore, #tpu.memory_space<semaphore_mem>>)
        tpu.wait_dma2 semaphore(%run_scoped3A : memref<!tpu.dma_semaphore, #tpu.memory_space<semaphore_mem>>) src(%arg9 : memref<256xf32, #tpu.memory_space<vmem_shared>>) dst(%arg8 : memref<256xf32, #tpu.memory_space<vmem>>)
        tpu.yield
      }) : () -> ()
      %get3A = arith.constant 0 : index
      %get3A_40 = tpu.vector_load %arg8[%get3A] {strides = array<i32>} : memref<256xf32, #tpu.memory_space<vmem>>, vector<16xf32>,
      %get3A_41 = arith.constant 16 : index
      %get3A_42 = tpu.vector_load %arg8[%get3A_41] {strides = array<i32>} : memref<256xf32, #tpu.memory_space<vmem>>, vector<16xf32>,
      %add3A_43 = arith.addf %get3A_40, %get3A_42 : vector<16xf32>
      %get3A_44 = arith.constant 32 : index
      %get3A_45 = tpu.vector_load %arg8[%get3A_44] {strides = array<i32>} : memref<256xf32, #tpu.memory_space<vmem>>, vector<16xf32>,
      %add3A_46 = arith.addf %add3A_43, %get3A_45 : vector<16xf32>
      %get3A_47 = arith.constant 48 : index
      %get3A_48 = tpu.vector_load %arg8[%get3A_47] {strides = array<i32>} : memref<256xf32, #tpu.memory_space<vmem>>, vector<16xf32>,
      %add3A_49 = arith.addf %add3A_46, %get3A_48 : vector<16xf32>
      %get3A_50 = arith.constant 64 : index
      %get3A_51 = tpu.vector_load %arg8[%get3A_50] {strides = array<i32>} : memref<256xf32, #tpu.memory_space<vmem>>, vector<16xf32>,
      %add3A_52 = arith.addf %add3A_49, %get3A_51 : vector<16xf32>
      %get3A_53 = arith.constant 80 : index
      %get3A_54 = tpu.vector_load %arg8[%get3A_53] {strides = array<i32>} : memref<256xf32, #tpu.memory_space<vmem>>, vector<16xf32>,
      %add3A_55 = arith.addf %add3A_52, %get3A_54 : vector<16xf32>
      %get3A_56 = arith.constant 96 : index
      %get3A_57 = tpu.vector_load %arg8[%get3A_56] {strides = array<i32>} : memref<256xf32, #tpu.memory_space<vmem>>, vector<16xf32>,
      %add3A_58 = arith.addf %add3A_55, %get3A_57 : vector<16xf32>
      %get3A_59 = arith.constant 112 : index
      %get3A_60 = tpu.vector_load %arg8[%get3A_59] {strides = array<i32>} : memref<256xf32, #tpu.memory_space<vmem>>, vector<16xf32>,
      %add3A_61 = arith.addf %add3A_58, %get3A_60 : vector<16xf32>
      %get3A_62 = arith.constant 128 : index
      %get3A_63 = tpu.vector_load %arg8[%get3A_62] {strides = array<i32>} : memref<256xf32, #tpu.memory_space<vmem>>, vector<16xf32>,
      %add3A_64 = arith.addf %add3A_61, %get3A_63 : vector<16xf32>
      %get3A_65 = arith.constant 144 : index
      %get3A_66 = tpu.vector_load %arg8[%get3A_65] {strides = array<i32>} : memref<256xf32, #tpu.memory_space<vmem>>, vector<16xf32>,
      %add3A_67 = arith.addf %add3A_64, %get3A_66 : vector<16xf32>
      %get3A_68 = arith.constant 160 : index
      %get3A_69 = tpu.vector_load %arg8[%get3A_68] {strides = array<i32>} : memref<256xf32, #tpu.memory_space<vmem>>, vector<16xf32>,
      %add3A_70 = arith.addf %add3A_67, %get3A_69 : vector<16xf32>
      %get3A_71 = arith.constant 176 : index
      %get3A_72 = tpu.vector_load %arg8[%get3A_71] {strides = array<i32>} : memref<256xf32, #tpu.memory_space<vmem>>, vector<16xf32>,
      %add3A_73 = arith.addf %add3A_70, %get3A_72 : vector<16xf32>
      %get3A_74 = arith.constant 192 : index
      %get3A_75 = tpu.vector_load %arg8[%get3A_74] {strides = array<i32>} : memref<256xf32, #tpu.memory_space<vmem>>, vector<16xf32>,
      %add3A_76 = arith.addf %add3A_73, %get3A_75 : vector<16xf32>
      %get3A_77 = arith.constant 208 : index
      %get3A_78 = tpu.vector_load %arg8[%get3A_77] {strides = array<i32>} : memref<256xf32, #tpu.memory_space<vmem>>, vector<16xf32>,
      %add3A_79 = arith.addf %add3A_76, %get3A_78 : vector<16xf32>
      %get3A_80 = arith.constant 224 : index
      %get3A_81 = tpu.vector_load %arg8[%get3A_80] {strides = array<i32>} : memref<256xf32, #tpu.memory_space<vmem>>, vector<16xf32>,
      %add3A_82 = arith.addf %add3A_79, %get3A_81 : vector<16xf32>
      %get3A_83 = arith.constant 240 : index
      %get3A_84 = tpu.vector_load %arg8[%get3A_83] {strides = array<i32>} : memref<256xf32, #tpu.memory_space<vmem>>, vector<16xf32>,
      %add3A_85 = arith.addf %add3A_82, %get3A_84 : vector<16xf32>
      %reduce_sum3A = arith.constant true
      %reduce_sum3A_86 = vector.broadcast %reduce_sum3A : i1 to vector<16xi1>
      %reduce_sum3A_87 = tpu.scan <sum>, %add3A_85 masked %reduce_sum3A_86 : vector<16xf32>, vector<16xi1> -> vector<16xf32>
      %reduce_sum3A_88 = vector.extract %reduce_sum3A_87[15] : f32 from vector<16xf32>
      %iota3A = tpu.iota {dimensions = array<i32: 0>} : vector<16xi32>
      %eq3A_89 = arith.constant 0 : i32
      %eq3A_90 = vector.broadcast %eq3A_89 : i32 to vector<16xi32>
      %eq3A_91 = arith.cmpi eq, %iota3A, %eq3A_90 : vector<16xi32>
      %jit3A = arith.constant 0.000000e+00 : f32
      %broadcast_in_dim3A_92 = vector.broadcast %reduce_sum3A_88 : f32 to vector<16xf32>
      %broadcast_in_dim3A_93 = vector.broadcast %jit3A : f32 to vector<16xf32>
      %select_n3A = arith.select %eq3A_91, %broadcast_in_dim3A_92, %broadcast_in_dim3A_93 : vector<16xi1>, vector<16xf32>
      %swap3A_94 = arith.constant 0 : index
      %swap3A_95 = tpu.vector_load %arg7[%swap3A_94] {strides = array<i32>} : memref<16xf32, #tpu.memory_space<vmem>>, vector<16xf32>,
      tpu.vector_store %arg7[%swap3A_94], %select_n3A {strides = array<i32>} : memref<16xf32, #tpu.memory_space<vmem>>, vector<16xf32>,
      %mul3A_96 = arith.constant 16 : i32
      %mul3A_97 = arith.muli %arg0, %mul3A_96 : i32
      "tpu.region"() ({
        %run_scoped3A = tpu.sem_alloc : memref<!tpu.dma_semaphore, #tpu.memory_space<semaphore_mem>>
        %dma_start3A_98 = tpu.memref_slice %arg4[%mul3A_97] : memref<32xf32, #tpu.memory_space<hbm>> -> memref<16xf32, #tpu.memory_space<hbm>>
        %dma_start3A_99 = tpu.memref_slice %arg4[%mul3A_97] : memref<32xf32, #tpu.memory_space<hbm>> -> memref<16xf32, #tpu.memory_space<hbm>>
        tpu.enqueue_dma source(%arg7 : memref<16xf32, #tpu.memory_space<vmem>>) target(%dma_start3A_99 : memref<16xf32, #tpu.memory_space<hbm>>) target_semaphore(%run_scoped3A : memref<!tpu.dma_semaphore, #tpu.memory_space<semaphore_mem>>)
        %dma_wait3A_100 = tpu.memref_slice %arg4[%mul3A_97] : memref<32xf32, #tpu.memory_space<hbm>> -> memref<16xf32, #tpu.memory_space<hbm>>
        %dma_wait3A_101 = tpu.memref_slice %arg4[%mul3A_97] : memref<32xf32, #tpu.memory_space<hbm>> -> memref<16xf32, #tpu.memory_space<hbm>>
        tpu.wait_dma2 semaphore(%run_scoped3A : memref<!tpu.dma_semaphore, #tpu.memory_space<semaphore_mem>>) src(%arg7 : memref<16xf32, #tpu.memory_space<vmem>>) dst(%dma_wait3A_101 : memref<16xf32, #tpu.memory_space<hbm>>)
        tpu.yield
      }) : () -> ()
    } else {
    }
    return
  }
}

module attributes {stable_mosaic.version = 14 : i64} {
  func.func @_tc_body(%arg0: memref<10000x128xf32, #tpu.memory_space<vmem>>, %arg1: memref<128x128xf32, #tpu.memory_space<vmem>>, %arg2: memref<1x128xf32, #tpu.memory_space<vmem>>, %arg3: memref<128x1xf32, #tpu.memory_space<vmem>>, %arg4: memref<1x1xf32, #tpu.memory_space<vmem>>, %arg5: memref<10000x1xf32, #tpu.memory_space<vmem>>, %arg6: memref<1x1xf32, #tpu.memory_space<vmem>>) attributes {dimension_semantics = [], scalar_prefetch = 0 : i64, scratch_operands = 0 : i64, tpu.core_type = #tpu.core_type<tc>} {
    %get3A = arith.constant 0 : index
    %get3A_0 = arith.constant 0 : index
    %get3A_1 = vector.load %arg0[%get3A, %get3A_0] : memref<10000x128xf32, #tpu.memory_space<vmem>>, vector<10000x128xf32>
    %get3A_2 = arith.constant 0 : index
    %get3A_3 = arith.constant 0 : index
    %get3A_4 = vector.load %arg1[%get3A_2, %get3A_3] : memref<128x128xf32, #tpu.memory_space<vmem>>, vector<128x128xf32>
    %dot_general3A = arith.constant dense<0.000000e+00> : vector<10000x128xf32>
    %dot_general3A_5 = tpu.matmul %get3A_1, %get3A_4, %dot_general3A {dimension_numbers = #tpu.dot_dimension_numbers<[1], [0], [0], [1], [0, 0, 1, 1], [], []>, transpose_lhs_hint = false} : vector<10000x128xf32>, vector<128x128xf32>, vector<10000x128xf32> -> vector<10000x128xf32>
    %get3A_6 = arith.constant 0 : index
    %get3A_7 = arith.constant 0 : index
    %get3A_8 = vector.load %arg3[%get3A_6, %get3A_7] : memref<128x1xf32, #tpu.memory_space<vmem>>, vector<128x1xf32>
    %dot_general3A_9 = arith.constant dense<0.000000e+00> : vector<10000x1xf32>
    %dot_general3A_10 = tpu.matmul %dot_general3A_5, %get3A_8, %dot_general3A_9 {dimension_numbers = #tpu.dot_dimension_numbers<[1], [0], [0], [1], [0, 0, 1, 1], [], []>, precision = #tpu.contract_precision<fp32>, transpose_lhs_hint = false} : vector<10000x128xf32>, vector<128x1xf32>, vector<10000x1xf32> -> vector<10000x1xf32>
    %swap3A = arith.constant 0 : index
    %swap3A_11 = arith.constant 0 : index
    %swap3A_12 = vector.load %arg5[%swap3A, %swap3A_11] : memref<10000x1xf32, #tpu.memory_space<vmem>>, vector<10000x1xf32>
    tpu.vector_store %arg5[%swap3A, %swap3A_11], %dot_general3A_10 {strides = array<i32>} : memref<10000x1xf32, #tpu.memory_space<vmem>>, vector<10000x1xf32>,
    %get3A_13 = arith.constant 0 : index
    %get3A_14 = arith.constant 0 : index
    %get3A_15 = vector.load %arg2[%get3A_13, %get3A_14] : memref<1x128xf32, #tpu.memory_space<vmem>>, vector<1x128xf32>
    %get3A_16 = arith.constant 0 : index
    %get3A_17 = arith.constant 0 : index
    %get3A_18 = vector.load %arg3[%get3A_16, %get3A_17] : memref<128x1xf32, #tpu.memory_space<vmem>>, vector<128x1xf32>
    %dot_general3A_19 = arith.constant dense<0.000000e+00> : vector<1x1xf32>
    %dot_general3A_20 = tpu.matmul %get3A_15, %get3A_18, %dot_general3A_19 {dimension_numbers = #tpu.dot_dimension_numbers<[1], [0], [0], [1], [0, 0, 1, 1], [], []>, precision = #tpu.contract_precision<fp32>, transpose_lhs_hint = false} : vector<1x128xf32>, vector<128x1xf32>, vector<1x1xf32> -> vector<1x1xf32>
    %mul3A = arith.constant 1.000000e+04 : f32
    %mul3A_21 = vector.broadcast %mul3A : f32 to vector<1x1xf32>
    %mul3A_22 = arith.mulf %dot_general3A_20, %mul3A_21 : vector<1x1xf32>
    %get3A_23 = arith.constant 0 : index
    %get3A_24 = arith.constant 0 : index
    %get3A_25 = vector.load %arg4[%get3A_23, %get3A_24] : memref<1x1xf32, #tpu.memory_space<vmem>>, vector<1x1xf32>
    %add3A = arith.addf %mul3A_22, %get3A_25 : vector<1x1xf32>
    %swap3A_26 = arith.constant 0 : index
    %swap3A_27 = arith.constant 0 : index
    %swap3A_28 = vector.load %arg6[%swap3A_26, %swap3A_27] : memref<1x1xf32, #tpu.memory_space<vmem>>, vector<1x1xf32>
    tpu.vector_store %arg6[%swap3A_26, %swap3A_27], %add3A {strides = array<i32>} : memref<1x1xf32, #tpu.memory_space<vmem>>, vector<1x1xf32>,
    return
  }
}

</mosaic_0001>

<sc_bundles>
// kernel: kernel.4.cloned.1.call-start
scs
__scs_entry_jumppad:
0x0: {  	(pc) =	sbr.rel $0x88, $3  }
0x1: {  	(tag) =	ssettag $0x0;
	lr =	simm.s32 $0x1  }
0x2: {  	[smem:$0x3F9B] =	sst lr;
	_ =	strace $0xD0000000  }
0x3: {  	_ = 	snop  }
0x4: {  	_ = 	snop  }
0x5: {  	_ = 	snop  }
0x6: {  	_ = 	snop  }
0x7: {  	_ = 	snop  }
__scs_overlays_trampoline_lowered:
0x8: {  	[smem:$0x3FAA] =	sst s0  }
0x9: {  	[smem:$0x3FAB] =	sst s1  }
0xa: {  	[smem:$0x3FAC] =	sst s2  }
0xb: {  	[smem:$0x3FAD] =	sst s3  }
0xc: {  	[smem:$0x3FAE] =	sst s4  }
0xd: {  	[smem:$0x3FAF] =	sst s5  }
0xe: {  	[smem:$0x3FB0] =	sst s6  }
0xf: {  	[smem:$0x3FB1] =	sst s7  }
0x10: {  	[smem:$0x3FB2] =	sst s8  }
0x11: {  	[smem:$0x3FB3] =	sst s9;
	s0 =	simm.s32 @!p0 $0x0  }
0x12: {  	s1 =	sld [smem:$0x3F99];
	s0 =	simm.s32 @p0 $0x1  }
0x13: {  	[smem:$0x3FB4] =	sst s0;
	s0 =	simm.s32 @!p1 $0x0  }
0x14: {  	s2 =	sld [smem:$0x3F98];
	s0 =	simm.s32 @p1 $0x1  }
0x15: {  	[smem:$0x3FB5] =	sst s0;
	s0 =	simm.s32 @!p2 $0x0  }
0x16: {  	s3 =	sld [smem:$0x3FDB];
	s0 =	simm.s32 @p2 $0x1  }
0x17: {  	s4 =	simm.s32 $0x1BF5;
	[smem:$0x3FB7] =	sst s0  }
0x18: {  	s0 =	sld [smem:$0x3F9A];
	_ =	swait.ge [sflag:s4], $0x0  }
0x19: {  	s7 =	sld [smem:$0x3F9B]  }
0x1a: {  	s8 =	sadd.s32 $0xFFFFE003, lr  }
0x1b: {  	s9 =	sadd.s32 $0xFFFFFEF7, lr;
	s5 =	simm.s32 $0xFFFFFFFF;
	p2 =	slt.u32 s8, $0xFFFFF086  }
0x1c: {  	p1 =	slt.u32 s9, $0xF7A;
	s5 =	simm.s32 @!p2 $0x0  }
0x1d: {  	s5 =	simm.s32 @p1 $0x1;
	p0 =	seq.s32 s7, s2  }
0x1e: {  	s7 =	smul.u32 @!p0 $0xF7A, s2;
	p2 =	seq.s32 @!p0 s5, $0x0  }
0x1f: {  	s9 =	smul.u32 $0xF7A, s1;
	s8 =	simm.s32 @!p0 $0x1BF5;
	p2 =	por !p2, p0  }
0x20: {  	[sflag:s8] =	ssyncset.s32 @!p0 $0xFFFFF086;
	s6 =	sadd.s32 @!p0 s3, s7;
	s7 =	simm.s32 @!p0 $0x108  }
0x21: {  	s3 =	sadd.s32 s3, s9;
	s6 =	sadd.s32 @!p0 $0x88, s6;
	s7 =	simm.s32 @p2 $0x1082  }
0x22: {  	[simem:s7], [sflag:s8] =	dma.local @!p0 [hbm:s6], $0xF7A  }
0x23: {  	s9 =	sor.u32 $0xD0000000, s2;
	s6 =	simm.s32 $0x108;
	_ =	swait.ge @!p0 [sflag:s8], $0x0  }
0x24: {  	s3 =	sadd.s32 $0x88, s3;
	s6 =	simm.s32 @!p1 $0x1082;
	[sflag:s4] =	ssyncset.s32 $0xFFFFF086  }
0x25: {  	[simem:s6], [sflag:s4] =	dma.local [hbm:s3], $0xF7A  }
0x26: {  	[smem:$0x3F9B] =	sst s1;
	(tag) =	ssettag s2;
	_ =	strace s9  }
0x27: {  	s1 =	sld [smem:$0x3FAB]  }
0x28: {  	s2 =	sld [smem:$0x3FAC]  }
0x29: {  	s4 =	sld [smem:$0x3FAE]  }
0x2a: {  	p0 =	seq.s32 s5, $0x0;
	s5 =	sld [smem:$0x3FAF]  }
0x2b: {  	s6 =	sld [smem:$0x3FB0]  }
0x2c: {  	s7 =	sld [smem:$0x3FB1]  }
0x2d: {  	s3 =	simm.s32 $0x108;
	s8 =	sld [smem:$0x3FB2]  }
0x2e: {  	s3 =	simm.s32 @!p0 $0x1082;
	s9 =	sld [smem:$0x3FB3]  }
0x2f: {  	lr =	sadd.s32 s0, s3;
	s0 =	sld [smem:$0x3FAA]  }
0x30: {  	s3 =	sld [smem:$0x3FAD]  }
0x31: {  	[smem:$0x3FB6] =	sst s10  }
0x32: {  	s10 =	sld [smem:$0x3FB4];
	_ =	sdelay $0x3  }
0x33: {  	p0 =	seq.s32 s10, $0x1;
	s10 =	sld [smem:$0x3FB6];
	_ =	sdelay $0x3  }
0x34: {  	[smem:$0x3FB6] =	sst s10  }
0x35: {  	s10 =	sld [smem:$0x3FB5];
	_ =	sdelay $0x3  }
0x36: {  	p1 =	seq.s32 s10, $0x1;
	s10 =	sld [smem:$0x3FB6];
	_ =	sdelay $0x3  }
0x37: {  	[smem:$0x3FB6] =	sst s10  }
0x38: {  	s10 =	sld [smem:$0x3FB7]  }
0x39: {  	_ = 	snop;
	(pc) =	sbr.ind lr, $3  }
0x3a: {  	_ = 	snop  }
0x3b: {  	_ = 	snop  }
0x3c: {  	p2 =	seq.s32 s10, $0x1;
	s10 =	sld [smem:$0x3FB6]  }
0x3d: {  	_ =	shalt  }
0x3e: {  	_ =	shalt  }
0x3f: {  	_ =	shalt  }
0x40: {  	_ =	shalt  }
0x41: {  	_ =	shalt  }
0x42: {  	_ =	shalt  }
0x43: {  	_ =	shalt  }
0x44: {  	_ =	shalt  }
0x45: {  	_ =	shalt  }
0x46: {  	_ =	shalt  }
0x47: {  	_ =	shalt  }
0x48: {  	_ =	shalt  }
0x49: {  	_ =	shalt  }
0x4a: {  	_ =	shalt  }
0x4b: {  	_ =	shalt  }
0x4c: {  	_ =	shalt  }
0x4d: {  	_ =	shalt  }
0x4e: {  	_ =	shalt  }
0x4f: {  	_ =	shalt  }
0x50: {  	_ =	shalt  }
0x51: {  	_ =	shalt  }
0x52: {  	_ =	shalt  }
0x53: {  	_ =	shalt  }
0x54: {  	_ =	shalt  }
0x55: {  	_ =	shalt  }
0x56: {  	_ =	shalt  }
0x57: {  	_ =	shalt  }
0x58: {  	_ =	shalt  }
0x59: {  	_ =	shalt  }
0x5a: {  	_ =	shalt  }
0x5b: {  	_ =	shalt  }
0x5c: {  	_ =	shalt  }
0x5d: {  	_ =	shalt  }
0x5e: {  	_ =	shalt  }
0x5f: {  	_ =	shalt  }
0x60: {  	_ =	shalt  }
0x61: {  	_ =	shalt  }
0x62: {  	_ =	shalt  }
0x63: {  	_ =	shalt  }
0x64: {  	_ =	shalt  }
0x65: {  	_ =	shalt  }
0x66: {  	_ =	shalt  }
0x67: {  	_ =	shalt  }
0x68: {  	_ =	shalt  }
0x69: {  	_ =	shalt  }
0x6a: {  	_ =	shalt  }
0x6b: {  	_ =	shalt  }
0x6c: {  	_ =	shalt  }
0x6d: {  	_ =	shalt  }
0x6e: {  	_ =	shalt  }
0x6f: {  	_ =	shalt  }
0x70: {  	_ =	shalt  }
0x71: {  	_ =	shalt  }
0x72: {  	_ =	shalt  }
0x73: {  	_ =	shalt  }
0x74: {  	_ =	shalt  }
0x75: {  	_ =	shalt  }
0x76: {  	_ =	shalt  }
0x77: {  	_ =	shalt  }
0x78: {  	_ =	shalt  }
0x79: {  	_ =	shalt  }
0x7a: {  	_ =	shalt  }
0x7b: {  	_ =	shalt  }
0x7c: {  	_ =	shalt  }
0x7d: {  	_ =	shalt  }
0x7e: {  	_ =	shalt  }
0x7f: {  	_ =	shalt  }
0x80: {  	_ =	shalt  }
0x81: {  	_ =	shalt  }
0x82: {  	_ =	shalt  }
0x83: {  	_ =	shalt  }
0x84: {  	_ =	shalt  }
0x85: {  	_ =	shalt  }
0x86: {  	_ =	shalt  }
0x87: {  	_ =	shalt  }
.Lfunc_end0:
.L_simem_size_0:
called_computation_lowered:
.L_overlay_start_0:
0x88: {  	s2 =	sld [smem:$0x3FD9]  }
0x89: {  	s3 =	sld [smem:$0x3FFE];
	_ =	sdelay $0x1  }
0x8a: {  	s1 =	srdreg.scid  }
0x8b: {  	s0 =	sand.u32 $0x1, s1  }
0x8c: {  	s16 =	sshll.u32 s0, $0xA;
	s2 =	sadd.s32 s3, s2  }
0x8d: {  	s2 =	sadd.s32 s2, s16  }
0x8e: {  	[smem:$0x3FC2] =	sst s2  }
0x8f: {  	_ = 	snop  }
0x90: {  	(tm) =	ssettm $0x1  }
0x91: {  	s17 =	sld [smem:$0x3FFB];
	_ =	sdelay $0x3  }
0x92: {  	_ =	strace s17  }
0x93: {  	s2 =	sld [smem:$0x3FFC];
	_ =	sdelay $0x3  }
0x94: {  	_ =	strace s2  }
0x95: {  	s2 =	sld [smem:$0x3FFD];
	_ =	sdelay $0x3  }
0x96: {  	_ =	strace s2  }
0x97: {  	_ =	strace $0x8FFFFFFF  }
0x98: {  	s18 =	sld [smem:$0x3FDB];
	_ =	sdelay $0x1  }
0x99: {  	s19 =	simm.s32 $_scs_section_size  }
0x9a: {  	s4 =	simm.s32 $_size__tile_overlayer_lowered;
	s5 =	simm.s32 $_tile_overlayer_lowered  }
0x9b: {  	s22 =	simm.s32 $0x1BFF;
	s21 =	sshll.u32 s5, $0x1;
	s2 =	sadd.s32 s19, s18  }
0x9c: {  	s6 =	simm.s32 $0x0;
	s20 =	sshll.u32 s4, $0x1;
	s4 =	sadd.s32 s21, s2  }
0x9d: {  	[timem:s6], [sflag:s22] =	dma.local [hbm:s4], s20  }
0x9e: {  	_ =	swait.ge [sflag:s22], s20  }
0x9f: {  	s3 =	ssub.s32 $0x0, s20;
	[sflag:s22] =	ssyncset.done $0x0  }
0xa0: {  	[sflag:s22] =	ssyncadd.s32 s3;
	_ =	sdelay $0x1  }
0xa1: {  	s23 =	simm.s32 $0x1B8B  }
0xa2: {  	_ =	swait.ge [sflag:s23], $0x1  }
0xa3: {  	[sflag:s23] =	ssyncset.done $0x0  }
0xa4: {  	s25 =	simm.s32 $0x1B8E;
	s24 =	sld [smem:$0x3FFE];
	[sflag:s23] =	ssyncadd.s32 $0xFFFFFFFF  }
0xa5: {  	s26 =	simm.s32 $execute0_lowered;
	[smem:$0x3FD2] =	sst s25  }
0xa6: {  	s4 =	sshll.u32 s26, $0x1;
	_ =	strace $0x80000046;
	[dreg:$0x1] =	wrdreg $0xFFFFFFFF  }
0xa7: {  	s28 =	simm.s32 $_size_execute0_lowered;
	s2 =	sadd.s32 s2, s4;
	[dreg:$0x0] =	wrdreg $0x0  }
0xa8: {  	s4 =	sshll.u32 s28, $0x1;
	[dreg:$0x2] =	wrdreg s2  }
0xa9: {  	[dreg:$0x3] =	wrdreg s4  }
0xaa: {  	[dreg:$0x4] =	wrdreg $0xC0  }
0xab: {  	_ =	task [dreg:s6], $0x5FFFF  }
0xac: {  	[dreg:$0x1] =	wrdreg $0xFFFFFFFF  }
0xad: {  	[dreg:$0x0] =	wrdreg $0x60  }
0xae: {  	[dreg:$0x2] =	wrdreg s24  }
0xaf: {  	[dreg:$0x3] =	wrdreg $0x50800  }
0xb0: {  	[dreg:$0x4] =	wrdreg $0x9  }
0xb1: {  	_ =	task.clear_ibuf [dreg:s6], $0x5FFFF;
	_ =	strace $0x90000046  }
0xb2: {  	s29 =	simm.s32 $0x9;
	_ =	strace $0x80000048  }
0xb3: {  	_ =	swait.ge [sflag:s29], $0x1  }
0xb4: {  	[sflag:s29] =	ssyncadd.s32 $0xFFFFFFFF  }
0xb5: {  	_ =	strace $0x90000048  }
0xb6: {  	_ =	sfence  }
0xb7: {  	s30 =	sld [smem:$0x0];
	_ =	sdelay $0x2  }
0xb8: {  	s31 =	sshll.u32 s1, $0xD;
	s1 =	sshrl.u32 s1, $0x2  }
0xb9: {  	s3 =	sand.u32 $0x4000, s31;
	s1 =	sadd.s32 s1, s30  }
0xba: {  	s0 =	sor.u32 s3, s0;
	s1 =	sshll.u32 s1, $0x11  }
0xbb: {  	s0 =	sor.u32 s1, s0  }
0xbc: {  	s0 =	sadd.s32 $0x8F2B, s0  }
0xbd: {  	[sflag:s0] =	ssyncadd.remote.s32 $0x1  }
0xbe: {  	_ =	sfence.sel $0xFFFF  }
0xbf: {  	[dreg:$0x0] =	wrdreg $0xFFFFFFFF;
	(pc) =	sbr.abs _section_cstart, $3  }
0xc0: {  	[dreg:$0x1] =	wrdreg $0xFFFFFFFF  }
0xc1: {  	_ =	task.clear_ibuf [dreg:s6], $0x2FFFF;
	_ =	strace $0x9FFFFFFF  }
0xc2: {  	(tm) =	ssettm $0x7FFFFFFF  }
0xc3: {  	_ =	shalt  }
tec
execute0_lowered:
.L_overlay_start_1:
0x0: {  	(tag) =	ssettag $0x1  }
0x1: {  	s4 =	rddreg [dreg:$0x0];
	s0 =	srdreg.scid  }
0x2: {  	s11 =	stileid.u32;
	s1 =	rddreg [dreg:$0x1]  }
0x3: {  	s2 =	simm.s32 $0x0;
	s10 =	simm.s32 $0x2;
	s12 =	simm.s32 $0x3  }
0x4: {  	s13 =	simm.s32 $0x0;
	s5 =	sand.u32 $0x1, s0;
	s0 =	rddreg [dreg:$0x2]  }
0x5: {  	s3 =	sshll.u32 s11, $0x1;
	[smem:$0x7FF] =	sst s2;
	s8 =	sshll.u32 s11, $0x4  }
0x6: {  	p0 =	sne.s32 s11, $0x0;
	s11 =	simm.s32 $0x4F00;
	s3 =	sor.u32 s5, s3  }
0x7: {  	s7 =	sshll.u32 s5, $0x1;
	s5 =	ssub.s32 $0x2, s5;
	s6 =	smul.u32 $0x4E2, s3  }
0x8: {  	_ =	strace $0x80000047;
	s3 =	sadd.s32 $0xA400, s4;
	s31 =	sshrl.u32 s5, $0x1  }
0x9: {  	s7 =	sadd.s32 s7, s4;
	s9 =	ssub.s32 s5, s31;
	s6 =	sadd.s32 s6, s4  }
0xa: {  	s5 =	sadd.s32 s8, s1;
	s8 =	simm.s32 $0x2780;
	s4 =	sadd.s32 $0x400, s6  }
0xb: {  	vm0 =	vmmov @!p0 $0x1;
	s6 =	sadd.s32 $0xAA00, s7;
	s7 =	smax.u32 s9, $0x1;
	s9 =	simm.s32 $0x1  }
.LBB2_1:
0xc: {  	[tilespmem:s8], [sflag:$0x1] =	stream.linear.gather [hbm4b:s3+s2], $0x2780, $0x38;
	[tilespmem:$0x5090] =	vst v63  }
0xd: {  	_ = 	snop  }
0xe: {  	[tilespmem:s2], [sflag:$0x2] =	stream.linear.gather [hbm4b:s4+s2], $0x2710, $0x38;
	[tilespmem:$0x5090] =	vst v63  }
0xf: {  	_ =	swait.ge [sflag:s9], $0x2780  }
0x10: {  	[sflag:s9] =	ssyncset.done $0x0  }
0x11: {  	[sflag:s9] =	ssyncadd.s32 $0xFFFFD880  }
0x12: {  	_ =	swait.ge [sflag:s10], $0x2710  }
0x13: {  	[sflag:s10] =	ssyncset.done $0x0  }
0x14: {  	s14 =	simm.s32 $0xC0;
	[sflag:s10] =	ssyncadd.s32 $0xFFFFD8F0  }
0x15: {  	v5 =	vld [tilespmem:s14+$0x10]  }
0x16: {  	v0 =	vld [tilespmem:s14+$0xFFFFFF40]  }
0x17: {  	v1 =	vld [tilespmem:s14+$0xB0]  }
0x18: {  	v2 =	vld [tilespmem:s14+$0xFFFFFF70]  }
0x19: {  	v11 =	vld [tilespmem:s14+$0xFFFFFFE0]  }
0x1a: {  	v17 =	vld [tilespmem:s14+$0xFFFFFFD0]  }
0x1b: {  	v3 =	vld [tilespmem:s14+$0xFFFFFFA0]  }
0x1c: {  	v20 =	vld [tilespmem:s14+$0xFFFFFFB0]  }
0x1d: {  	v19 =	vld [tilespmem:s14+$0xFFFFFFF0]  }
0x1e: {  	v4 =	vld [tilespmem:s14+$0x60]  }
0x1f: {  	v6 =	vld [tilespmem:s14+$0xFFFFFF80]  }
0x20: {  	v7 =	vld [tilespmem:s14+$0x80]  }
0x21: {  	v8 =	vld [tilespmem:s14+$0xFFFFFF60]  }
0x22: {  	v10 =	vld [tilespmem:s14+$0xFFFFFF50]  }
0x23: {  	v14 =	vld [tilespmem:s14+$0x30]  }
0x24: {  	v9 =	vld [tilespmem:s14+$0x0]  }
0x25: {  	v12 =	vld [tilespmem:s14+$0x50]  }
0x26: {  	v13 =	vld [tilespmem:s14+$0x70]  }
0x27: {  	v15 =	vld [tilespmem:s14+$0xA0]  }
0x28: {  	s31 =	sand.u32 $0x3FF0, s2;
	v18 =	vld [tilespmem:s14+$0x20]  }
0x29: {  	v23 =	vld [tilespmem:s31+$0x180]  }
0x2a: {  	v24 =	vld [tilespmem:s31+$0x100]  }
0x2b: {  	v25 =	vld [tilespmem:s31+$0x80]  }
0x2c: {  	v0 =	vld.idx.msk [tilespmem:v0+s8+$0x0], $0xffff  }
0x2d: {  	v1 =	vld.idx.msk [tilespmem:v1+s8+$0x0], $0xffff  }
0x2e: {  	v21 =	vld.idx.msk [tilespmem:v2+s8+$0x0], $0xffff  }
0x2f: {  	v2 =	vld [tilespmem:s14+$0xFFFFFF90]  }
0x30: {  	v3 =	vld.idx.msk [tilespmem:v3+s8+$0x0], $0xffff  }
0x31: {  	v6 =	vld.idx.msk [tilespmem:v6+s8+$0x0], $0xffff  }
0x32: {  	v16 =	vld.idx.msk [tilespmem:v8+s8+$0x0], $0xffff  }
0x33: {  	v8 =	vld [tilespmem:s14+$0x90]  }
0x34: {  	v22 =	vld.idx.msk [tilespmem:v9+s8+$0x0], $0xffff  }
0x35: {  	v7 =	vld.idx.msk [tilespmem:v7+s8+$0x0], $0xffff  }
0x36: {  	v4 =	vld.idx.msk [tilespmem:v4+s8+$0x0], $0xffff  }
0x37: {  	v26 =	vld.idx.msk [tilespmem:v13+s8+$0x0], $0xffff  }
0x38: {  	v29 =	vld.idx.msk [tilespmem:v12+s8+$0x0], $0xffff  }
0x39: {  	v23 =	vld.idx.msk [tilespmem:v23+s8+$0x0], $0xffff  }
0x3a: {  	v24 =	vld.idx.msk [tilespmem:v24+s8+$0x0], $0xffff  }
0x3b: {  	v30 =	vld.idx.msk [tilespmem:v14+s8+$0x0], $0xffff  }
0x3c: {  	v31 =	vld.idx.msk [tilespmem:v25+s8+$0x0], $0xffff  }
0x3d: {  	v9 =	vimm.f32 $0.0e+00;
	v27 =	vld.idx.msk [tilespmem:v10+s8+$0x0], $0xffff  }
0x3e: {  	v25 =	vld.idx.msk [tilespmem:v5+s8+$0x0], $0xffff;
	v12 =	vadd.f32 v0, v9;
	v0 =	vadd.f32 v1, v9  }
0x3f: {  	v13 =	vadd.f32 v6, v9;
	v16 =	vadd.f32 v16, v9;
	v2 =	vld.idx.msk [tilespmem:v2+s8+$0x0], $0xffff  }
0x40: {  	v6 =	vadd.f32 v22, v9;
	v1 =	vadd.f32 v7, v9;
	v28 =	vld.idx.msk [tilespmem:v8+s8+$0x0], $0xffff  }
0x41: {  	v22 =	vld.idx.msk [tilespmem:v15+s8+$0x0], $0xffff;
	v7 =	vadd.f32 v29, v9;
	v5 =	vadd.f32 v23, v9  }
0x42: {  	v10 =	vadd.f32 v24, v9;
	v15 =	vadd.f32 v30, v9;
	v30 =	vld.idx.msk [tilespmem:v17+s8+$0x0], $0xffff  }
0x43: {  	v23 =	vadd.f32 v21, v9;
	v29 =	vld.idx.msk [tilespmem:v19+s8+$0x0], $0xffff;
	v8 =	vadd.f32 v3, v9  }
0x44: {  	v19 =	vimm.f32 $0.0e+00;
	v3 =	vadd.f32 v26, v9;
	v26 =	vld.idx.msk [tilespmem:v18+s8+$0x0], $0xffff;
	v14 =	vadd.f32 v2, v9  }
0x45: {  	v17 =	vimm.f32 $0.0e+00;
	v2 =	vadd.f32 v4, v9;
	v4 =	vadd.f32 v28, v9;
	v28 =	vld.idx.msk [tilespmem:v11+s8+$0x0], $0xffff  }
0x46: {  	v21 =	vimm.f32 $0.0e+00;
	v24 =	vimm.f32 $0.0e+00;
	v18 =	vadd.f32 v31, v9  }
0x47: {  	s15 =	simm.s32 $0x250;
	s14 =	simm.s32 $0x190;
	v31 =	vld.idx.msk [tilespmem:v20+s8+$0x0], $0xffff;
	v20 =	vimm.f32 $0.0e+00;
	v11 =	vadd.f32 v22, v9;
	v22 =	vimm.f32 $0.0e+00  }
.LBB2_2:
0x48: {  	s16 =	sand.u32 $0x3FF0, s14;
	v32 =	vld [tilespmem:s15+$0x10];
	p1 =	sne.s32 s14, $0x2580;
	s14 =	sadd.s32 $0x190, s14;
	v9 =	vadd.f32 v27, v9  }
0x49: {  	v27 =	vld [tilespmem:s15+$0xFFFFFF40]  }
0x4a: {  	v17 =	vadd.f32 v26, v17;
	v19 =	vadd.f32 v28, v19;
	v33 =	vld [tilespmem:s15+$0xB0]  }
0x4b: {  	v20 =	vadd.f32 v25, v20;
	v21 =	vadd.f32 v30, v21;
	v26 =	vld [tilespmem:s15+$0xFFFFFF70]  }
0x4c: {  	v22 =	vadd.f32 v29, v22;
	v28 =	vld [tilespmem:s15+$0xFFFFFFE0]  }
0x4d: {  	v24 =	vadd.f32 v31, v24;
	v29 =	vld [tilespmem:s15+$0xFFFFFFD0]  }
0x4e: {  	v25 =	vld [tilespmem:s15+$0xFFFFFFA0]  }
0x4f: {  	v31 =	vld [tilespmem:s15+$0xFFFFFFB0]  }
0x50: {  	v34 =	vld [tilespmem:s15+$0xFFFFFFF0]  }
0x51: {  	v27 =	vld.idx.msk [tilespmem:v27+s8+$0x0], $0xffff  }
0x52: {  	v30 =	vld [tilespmem:s15+$0x60]  }
0x53: {  	v33 =	vld.idx.msk [tilespmem:v33+s8+$0x0], $0xffff  }
0x54: {  	v35 =	vld [tilespmem:s15+$0xFFFFFF80]  }
0x55: {  	v36 =	vld [tilespmem:s15+$0x80]  }
0x56: {  	v37 =	vld.idx.msk [tilespmem:v26+s8+$0x0], $0xffff  }
0x57: {  	v12 =	vadd.f32 v27, v12;
	v26 =	vld [tilespmem:s15+$0xFFFFFF90]  }
0x58: {  	v27 =	vld [tilespmem:s15+$0xFFFFFF60]  }
0x59: {  	v0 =	vadd.f32 v33, v0;
	v25 =	vld.idx.msk [tilespmem:v25+s8+$0x0], $0xffff  }
0x5a: {  	v33 =	vld [tilespmem:s15+$0xFFFFFF50]  }
0x5b: {  	v38 =	vld [tilespmem:s15+$0x30]  }
0x5c: {  	v39 =	vld [tilespmem:s15+$0x0]  }
0x5d: {  	v40 =	vld [tilespmem:s15+$0x50]  }
0x5e: {  	v35 =	vld.idx.msk [tilespmem:v35+s8+$0x0], $0xffff  }
0x5f: {  	v8 =	vadd.f32 v25, v8;
	v41 =	vld [tilespmem:s15+$0x70]  }
0x60: {  	v25 =	vld.idx.msk [tilespmem:v26+s8+$0x0], $0xffff  }
0x61: {  	v26 =	vld [tilespmem:s15+$0xA0]  }
0x62: {  	v27 =	vld.idx.msk [tilespmem:v27+s8+$0x0], $0xffff  }
0x63: {  	v42 =	vld [tilespmem:s15+$0x20]  }
0x64: {  	v13 =	vadd.f32 v35, v13;
	v43 =	vld [tilespmem:s15+$0x90]  }
0x65: {  	v35 =	vld.idx.msk [tilespmem:v39+s8+$0x0], $0xffff  }
0x66: {  	v14 =	vadd.f32 v25, v14;
	v39 =	vld [tilespmem:s16+$0x180]  }
0x67: {  	v25 =	vld [tilespmem:s16+$0x100]  }
0x68: {  	v16 =	vadd.f32 v27, v16;
	v44 =	vld [tilespmem:s16+$0x80]  }
0x69: {  	v27 =	vld.idx.msk [tilespmem:v36+s8+$0x0], $0xffff  }
0x6a: {  	v30 =	vld.idx.msk [tilespmem:v30+s8+$0x0], $0xffff  }
0x6b: {  	v6 =	vadd.f32 v35, v6;
	v36 =	vld.idx.msk [tilespmem:v41+s8+$0x0], $0xffff  }
0x6c: {  	v35 =	vld.idx.msk [tilespmem:v43+s8+$0x0], $0xffff  }
0x6d: {  	v40 =	vld.idx.msk [tilespmem:v40+s8+$0x0], $0xffff  }
0x6e: {  	v39 =	vld.idx.msk [tilespmem:v39+s8+$0x0], $0xffff  }
0x6f: {  	v1 =	vadd.f32 v27, v1;
	v41 =	vld.idx.msk [tilespmem:v25+s8+$0x0], $0xffff  }
0x70: {  	v2 =	vadd.f32 v30, v2;
	v38 =	vld.idx.msk [tilespmem:v38+s8+$0x0], $0xffff  }
0x71: {  	v3 =	vadd.f32 v36, v3;
	v43 =	vld.idx.msk [tilespmem:v44+s8+$0x0], $0xffff  }
0x72: {  	v4 =	vadd.f32 v35, v4;
	v27 =	vld.idx.msk [tilespmem:v33+s8+$0x0], $0xffff  }
0x73: {  	v7 =	vadd.f32 v40, v7;
	v33 =	vld.idx.msk [tilespmem:v26+s8+$0x0], $0xffff  }
0x74: {  	v5 =	vadd.f32 v39, v5;
	v25 =	vld.idx.msk [tilespmem:v32+s8+$0x0], $0xffff  }
.Ltmp0:
0x75: {  	v10 =	vadd.f32 v41, v10;
	v26 =	vld.idx.msk [tilespmem:v42+s8+$0x0], $0xffff;
	(pc) =	sbr.rel @p1 .LBB2_2-.Ltmp0, $4  }
0x76: {  	v15 =	vadd.f32 v38, v15;
	v28 =	vld.idx.msk [tilespmem:v28+s8+$0x0], $0xffff  }
0x77: {  	v18 =	vadd.f32 v43, v18;
	v30 =	vld.idx.msk [tilespmem:v29+s8+$0x0], $0xffff  }
0x78: {  	v23 =	vadd.f32 v37, v23;
	v29 =	vld.idx.msk [tilespmem:v34+s8+$0x0], $0xffff  }
0x79: {  	s15 =	sadd.s32 $0x190, s15;
	v11 =	vadd.f32 v33, v11;
	v31 =	vld.idx.msk [tilespmem:v31+s8+$0x0], $0xffff  }
0x7a: {  	v9 =	vadd.f32 v27, v9;
	_ =	sdelay $0x1  }
0x7b: {  	v9 =	vadd.f32 v9, v12;
	_ =	sdelay $0x1  }
0x7c: {  	v9 =	vadd.f32 v16, v9;
	_ =	sdelay $0x1  }
0x7d: {  	v9 =	vadd.f32 v23, v9;
	_ =	sdelay $0x1  }
0x7e: {  	v9 =	vadd.f32 v13, v9;
	_ =	sdelay $0x1  }
0x7f: {  	v9 =	vadd.f32 v14, v9;
	_ =	sdelay $0x1  }
0x80: {  	v58 =	vadd.f32 v31, v24;
	v8 =	vadd.f32 v8, v9;
	_ =	sdelay $0x1  }
0x81: {  	v8 =	vadd.f32 v58, v8;
	_ =	sdelay $0x1  }
0x82: {  	v59 =	vadd.f32 v30, v21;
	v8 =	vadd.f32 v18, v8;
	_ =	sdelay $0x1  }
0x83: {  	v60 =	vadd.f32 v28, v19;
	v8 =	vadd.f32 v59, v8;
	_ =	sdelay $0x1  }
0x84: {  	v61 =	vadd.f32 v29, v22;
	v8 =	vadd.f32 v60, v8;
	_ =	sdelay $0x1  }
0x85: {  	v8 =	vadd.f32 v61, v8;
	_ =	sdelay $0x1  }
0x86: {  	v62 =	vadd.f32 v25, v20;
	v6 =	vadd.f32 v6, v8;
	_ =	sdelay $0x1  }
0x87: {  	v63 =	vadd.f32 v26, v17;
	v6 =	vadd.f32 v62, v6;
	_ =	sdelay $0x1  }
0x88: {  	v6 =	vadd.f32 v63, v6;
	_ =	sdelay $0x1  }
0x89: {  	v6 =	vadd.f32 v15, v6;
	_ =	sdelay $0x1  }
0x8a: {  	v6 =	vadd.f32 v10, v6;
	_ =	sdelay $0x1  }
0x8b: {  	v6 =	vadd.f32 v7, v6;
	_ =	sdelay $0x1  }
0x8c: {  	v2 =	vadd.f32 v2, v6;
	_ =	sdelay $0x1  }
0x8d: {  	v2 =	vadd.f32 v3, v2;
	_ =	sdelay $0x1  }
0x8e: {  	v1 =	vadd.f32 v1, v2;
	_ =	sdelay $0x1  }
0x8f: {  	v1 =	vadd.f32 v4, v1;
	_ =	sdelay $0x1  }
0x90: {  	v1 =	vadd.f32 v11, v1;
	_ =	sdelay $0x1  }
0x91: {  	v0 =	vadd.f32 v0, v1;
	_ =	sdelay $0x1  }
0x92: {  	v0 =	vadd.f32 v5, v0;
	_ =	sdelay $0x1  }
0x93: {  	[tilespmem:$0x4F00] =	vst v0  }
0x94: {  	[spmem:s5] =	stream.linear.scatter [tilespmem:s11], [sflag:$0x3], $0x10, $0x38;
	[tilespmem:$0x5090] =	vst v63  }
0x95: {  	_ =	swait.ge [sflag:s12], $0x10  }
0x96: {  	[sflag:s12] =	ssyncset.done $0x0  }
0x97: {  	[sflag:s12] =	ssyncadd.s32 $0xFFFFFFF0  }
0x98: {  	s14 =	simm.s32 @!p0 $0x4F80;
	[bflag:$0x0] =	sbarrier.arrive $0xFFFF  }
0x99: {  	[tilespmem:s14], [sflag:$0x3] =	stream.linear.gather @!p0 [spmem:s1], $0x100, $0x38;
	[tilespmem:$0x5090] =	vst v63  }
0x9a: {  	s14 =	simm.s32 @!p0 $0x3  }
0x9b: {  	_ =	swait.ge @!p0 [sflag:s14], $0x100  }
0x9c: {  	[sflag:s14] =	ssyncset.done @!p0 $0x0  }
0x9d: {  	[sflag:s14] =	ssyncadd.s32 @!p0 $0xFFFFFF00  }
0x9e: {  	v0 =	vld @!p0 [tilespmem:$0x4F80]  }
0x9f: {  	v1 =	vld @!p0 [tilespmem:$0x4F90];
	_ =	sdelay $0x1  }
0xa0: {  	v2 =	vld @!p0 [tilespmem:$0x4FA0];
	_ =	sdelay $0x1  }
0xa1: {  	v3 =	vld @!p0 [tilespmem:$0x4FB0]  }
0xa2: {  	v0 =	vadd.f32 @!p0 v1, v0  }
0xa3: {  	v1 =	vld @!p0 [tilespmem:$0x4FC0]  }
0xa4: {  	v0 =	vadd.f32 @!p0 v2, v0  }
0xa5: {  	v2 =	vld @!p0 [tilespmem:$0x4FD0]  }
0xa6: {  	v0 =	vadd.f32 @!p0 v3, v0  }
0xa7: {  	v3 =	vld @!p0 [tilespmem:$0x4FE0]  }
0xa8: {  	v0 =	vadd.f32 @!p0 v1, v0  }
0xa9: {  	v1 =	vld @!p0 [tilespmem:$0x4FF0]  }
0xaa: {  	v0 =	vadd.f32 @!p0 v2, v0  }
0xab: {  	v2 =	vld @!p0 [tilespmem:$0x5000]  }
0xac: {  	v0 =	vadd.f32 @!p0 v3, v0  }
0xad: {  	v3 =	vld @!p0 [tilespmem:$0x5010]  }
0xae: {  	v0 =	vadd.f32 @!p0 v1, v0  }
0xaf: {  	v1 =	vld @!p0 [tilespmem:$0x5020]  }
0xb0: {  	v0 =	vadd.f32 @!p0 v2, v0  }
0xb1: {  	v2 =	vld @!p0 [tilespmem:$0x5030]  }
0xb2: {  	v0 =	vadd.f32 @!p0 v3, v0  }
0xb3: {  	v3 =	vld @!p0 [tilespmem:$0x5040]  }
0xb4: {  	v0 =	vadd.f32 @!p0 v1, v0  }
0xb5: {  	v1 =	vld @!p0 [tilespmem:$0x5050]  }
0xb6: {  	v0 =	vadd.f32 @!p0 v2, v0  }
0xb7: {  	v2 =	vld @!p0 [tilespmem:$0x5060]  }
0xb8: {  	v0 =	vadd.f32 @!p0 v3, v0  }
0xb9: {  	v3 =	vld @!p0 [tilespmem:$0x5070]  }
0xba: {  	v0 =	vadd.f32 @!p0 v1, v0;
	_ =	sdelay $0x1  }
0xbb: {  	v0 =	vadd.f32 @!p0 v2, v0;
	_ =	sdelay $0x1  }
0xbc: {  	v0 =	vadd.f32 @!p0 v3, v0;
	_ =	sdelay $0x1  }
0xbd: {  	(xrf2) =	vadd.scan.msk.f32 @!p0 $0xffff, v0;
	_ =	sdelay $0x9  }
0xbe: {  	v0, _, _ =	vpop @!p0 (xrf2)  }
0xbf: {  	v0 =	vbroadcast @!p0 v0, $0xF  }
0xc0: {  	s13 =	sadd.s32 $0x1, s13  }
0xc1: {  	p1 =	sne.s32 s13, s7;
	v0 =	vnsel @!p0 vm0, $0x0, v0  }
.Ltmp1:
0xc2: {  	s15 =	simm.s32 @!p0 $0x0;
	s16 =	simm.s32 @!p0 $0x4F00;
	[tilespmem:$0x4F00] =	vst @!p0 v0;
	(pc) =	sbr.rel @p1 .LBB2_1-.Ltmp1, $4  }
0xc3: {  	[hbm4b:s6+s15] =	stream.linear.scatter @!p0 [tilespmem:s16], [sflag:$0x3], $0x10, $0x38;
	[tilespmem:$0x5090] =	vst v63  }
0xc4: {  	_ =	swait.ge @!p0 [sflag:s14], $0x10  }
0xc5: {  	[sflag:s14] =	ssyncset.done @!p0 $0x0  }
0xc6: {  	[sflag:s14] =	ssyncadd.s32 @!p0 $0xFFFFFFF0  }
0xc7: {  	_ =	sfence.sel $0x180000  }
0xc8: {  	[bflag:$0x0] =	sbarrier.arrive $0xFFFF  }
0xc9: {  	_ =	strace $0x90000047  }
0xca: {  	s0 =	sadd.s32 @!p0 $0x100000, s0;
	[bflag:$0x2] =	sbarrier.arrive $0xFFFF  }
0xcb: {  	[sflag:s0] =	ssyncadd.tile.s32 @!p0 $0x1;
	_ =	shalt  }
.Lfunc_end2:
_tile_overlayer_lowered:
.L_overlay_start_2:
0xcc: {  	(tag) =	ssettag $0x2  }
0xcd: {  	s0 =	rddreg [dreg:$0x0];
	s2 =	stileid.u32  }
0xce: {  	s1 =	rddreg [dreg:$0x1];
	p0 =	sne.s32 s2, $0x0  }
0xcf: {  	s3 =	rddreg [dreg:$0x2];
	[bflag:$0x3] =	sbarrier.arrive $0xFFFF;
	s2 =	simm.s32 @!p0 $0x1C03  }
0xd0: {  	[timem:s3], [sflag:s2] =	dma.local @!p0 [hbm:s0], s1  }
0xd1: {  	s0 =	simm.s32 @!p0 $0x3  }
0xd2: {  	_ =	swait.ge @!p0 [sflag:s0], s1  }
0xd3: {  	s1 =	ssub.s32 @!p0 $0x0, s1;
	[sflag:s0] =	ssyncset.done @!p0 $0x0  }
0xd4: {  	[sflag:s0] =	ssyncadd.s32 @!p0 s1  }
0xd5: {  	[bflag:$0x3] =	sbarrier.arrive $0xFFFF  }
0xd6: {  	_ =	shalt  }

</sc_bundles>
